<compile_context>
chip_gen: v7x
topology: tpu7x:2x2x1
jax: 0.10.2.dev20260603
libtpu: 0.0.44.dev20260713+nightly
codegen_flags: <defaults>
</compile_context>

<pallas_src>
import functools

import jax
import jax.numpy as jnp
from jax import lax
from jax.experimental import pallas as pl
from jax.experimental.pallas import tpu as pltpu
from jax.experimental.pallas import tpu_sc as plsc

_TC_BLOCK_ROWS = 2048
_SC_CHUNK_ROWS = 32


def _tc_copy_body(pe_ref, out_ref):
    out_ref[...] = pe_ref[...]


def _make_sc_copy(row_start, rows, hidden, dtype):
    info = plsc.get_sparse_core_info()
    nc, ns = info.num_cores, info.num_subcores
    nw = nc * ns
    rows_per_w = rows // nw
    n_chunks = rows_per_w // _SC_CHUNK_ROWS
    mesh = plsc.VectorSubcoreMesh(core_axis_name="c", subcore_axis_name="s")

    @functools.partial(
        pl.kernel,
        mesh=mesh,
        out_type=jax.ShapeDtypeStruct((rows, hidden), dtype),
        scratch_types=[
            pltpu.VMEM((2, _SC_CHUNK_ROWS, hidden), dtype),
            pltpu.SemaphoreType.DMA,
            pltpu.SemaphoreType.DMA,
            pltpu.SemaphoreType.DMA,
            pltpu.SemaphoreType.DMA,
        ],
    )
    def sc_copy(pe_hbm, out_hbm, buf, isem0, isem1, osem0, osem1):
        wid = lax.axis_index("s") * nc + lax.axis_index("c")
        base = wid * rows_per_w
        isem = (isem0, isem1)
        osem = (osem0, osem1)

        def src(c):
            return pe_hbm.at[pl.ds(row_start + base + c * _SC_CHUNK_ROWS, _SC_CHUNK_ROWS)]

        def dst(c):
            return out_hbm.at[pl.ds(base + c * _SC_CHUNK_ROWS, _SC_CHUNK_ROWS)]

        ind = {0: pltpu.async_copy(src(0), buf.at[0], isem[0])}
        outd = {}
        for c in range(n_chunks):
            b = c % 2
            ind[c].wait()
            outd[c] = pltpu.async_copy(buf.at[b], dst(c), osem[b])
            if c + 1 < n_chunks:
                if c - 1 >= 0:
                    outd[c - 1].wait()
                ind[c + 1] = pltpu.async_copy(src(c + 1), buf.at[1 - b], isem[1 - b])
        if n_chunks >= 2:
            outd[n_chunks - 2].wait()
        outd[n_chunks - 1].wait()

    return sc_copy


def kernel(x, pe):
    seq_len = x.shape[1]
    hidden = pe.shape[1]
    tc_rows = 6144
    sc_rows = seq_len - tc_rows
    tc_out = pl.pallas_call(
        _tc_copy_body,
        grid=(tc_rows // _TC_BLOCK_ROWS,),
        in_specs=[pl.BlockSpec((_TC_BLOCK_ROWS, hidden), lambda i: (i, 0))],
        out_specs=pl.BlockSpec((_TC_BLOCK_ROWS, hidden), lambda i: (i, 0)),
        out_shape=jax.ShapeDtypeStruct((tc_rows, hidden), pe.dtype),
    )(pe)
    sc_out = _make_sc_copy(tc_rows, sc_rows, hidden, pe.dtype)(pe)
    out = jnp.concatenate([tc_out, sc_out], axis=0)
    return out[None, ...]

# --- scband reference (transcript-rebuilt; emitter-appended) ---
"""Pipeline reference for scband-learned-pos-encoding-49349174231598 (READ-ONLY COPY).

The authoritative reference and input builder live on the scoring server;
editing this copy changes nothing except your own understanding.
"""

import jax, jax.numpy as jnp
import numpy as np

HIDDEN_DIM = 1024
CONTEXT_WINDOW = 8192
BATCH = 4
SEQ_LEN = 8192

def setup_inputs(seed: int = 0) -> dict:
    key = jax.random.key(seed)
    k1, k2 = jax.random.split(key)
    x = jax.random.randint(k1, (BATCH, SEQ_LEN), 0, 8192, dtype=jnp.int64 if jax.config.jax_enable_x64 else jnp.int32)
    pe = jax.random.normal(k2, (CONTEXT_WINDOW, HIDDEN_DIM), dtype=jnp.float32) * 0.02
    return {"x": x, "pe": pe}

def reference(x, pe):
    # Faithful translation: pe(arange(x.size(1))).unsqueeze(0) when x.ndim >= 2
    seq_len = x.shape[1]
    positions = jnp.arange(seq_len)
    out = jnp.take(pe, positions, axis=0)  # embedding lookup -> gather
    if x.ndim >= 2:
        return out[None, ...]  # unsqueeze(0) -> [1, S, hidden_dim]
    return out

if __name__ == "__main__":
    import jax
    _d = setup_inputs()
    print(jax.jit(kernel)(*tuple(_d.values())))

</pallas_src>

<mosaic_0001>
#map = affine_map<(d0, d1) -> (0, 0)>
module attributes {stable_mosaic.version = 14 : i64} {
  func.func @sc_copy(%arg0: i32, %arg1: i32, %arg2: memref<8192x1024xf32, #tpu.memory_space<hbm>>, %arg3: memref<2048x1024xf32, #tpu.memory_space<hbm>>, %arg4: memref<2x32x1024xf32, #tpu.memory_space<vmem>>, %arg5: memref<!tpu.dma_semaphore, #tpu.memory_space<semaphore_mem>>, %arg6: memref<!tpu.dma_semaphore, #tpu.memory_space<semaphore_mem>>, %arg7: memref<!tpu.dma_semaphore, #tpu.memory_space<semaphore_mem>>, %arg8: memref<!tpu.dma_semaphore, #tpu.memory_space<semaphore_mem>>) attributes {dimension_semantics = [#tpu.dimension_semantics<core_parallel>, #tpu.dimension_semantics<subcore_parallel>], iteration_bounds = array<i64: 2, 16>, scalar_prefetch = 0 : i64, scratch_operands = 5 : i64, tpu.core_type = #tpu.core_type<sc_vector_subcore>, window_params = [{transform_indices = #map}, {transform_indices = #map}]} {
    %mul3A = arith.constant 2 : i32
    %mul3A_0 = arith.muli %arg1, %mul3A : i32
    %add3A = arith.addi %mul3A_0, %arg0 : i32
    %mul3A_1 = arith.constant 64 : i32
    %mul3A_2 = arith.muli %add3A, %mul3A_1 : i32
    %add3A_3 = arith.constant 6144 : i32
    %add3A_4 = arith.addi %add3A_3, %mul3A_2 : i32
    %add3A_5 = arith.constant 0 : i32
    %add3A_6 = arith.addi %add3A_4, %add3A_5 : i32
    %dma_start3A = arith.constant 0 : i32
    %dma_start3A_7 = arith.constant 0 : i32
    %dma_start3A_8 = arith.constant 0 : i32
    %dma_start3A_9 = tpu.memref_slice %arg4[%dma_start3A, %dma_start3A_7, %dma_start3A_8] : memref<2x32x1024xf32, #tpu.memory_space<vmem>> -> memref<1x32x1024xf32, #tpu.memory_space<vmem>>
    %dma_start3A_10 = tpu.memref_squeeze %dma_start3A_9 : memref<1x32x1024xf32, #tpu.memory_space<vmem>> -> memref<32x1024xf32, #tpu.memory_space<vmem>>
    %dma_start3A_11 = arith.constant 0 : i32
    %dma_start3A_12 = tpu.memref_slice %arg2[%add3A_6, %dma_start3A_11] : memref<8192x1024xf32, #tpu.memory_space<hbm>> -> memref<32x1024xf32, #tpu.memory_space<hbm>>
    %dma_start3A_13 = arith.constant 0 : i32
    %dma_start3A_14 = arith.constant 0 : i32
    %dma_start3A_15 = tpu.memref_slice %arg4[%dma_start3A, %dma_start3A_13, %dma_start3A_14] : memref<2x32x1024xf32, #tpu.memory_space<vmem>> -> memref<1x32x1024xf32, #tpu.memory_space<vmem>>
    %dma_start3A_16 = tpu.memref_squeeze %dma_start3A_15 : memref<1x32x1024xf32, #tpu.memory_space<vmem>> -> memref<32x1024xf32, #tpu.memory_space<vmem>>
    %dma_start3A_17 = arith.constant 0 : i32
    %dma_start3A_18 = tpu.memref_slice %arg2[%add3A_6, %dma_start3A_17] : memref<8192x1024xf32, #tpu.memory_space<hbm>> -> memref<32x1024xf32, #tpu.memory_space<hbm>>
    tpu.enqueue_dma source(%dma_start3A_18 : memref<32x1024xf32, #tpu.memory_space<hbm>>) target(%dma_start3A_16 : memref<32x1024xf32, #tpu.memory_space<vmem>>) target_semaphore(%arg5 : memref<!tpu.dma_semaphore, #tpu.memory_space<semaphore_mem>>)
    %dma_wait3A = arith.constant 0 : i32
    %dma_wait3A_19 = arith.constant 0 : i32
    %dma_wait3A_20 = arith.constant 0 : i32
    %dma_wait3A_21 = tpu.memref_slice %arg4[%dma_wait3A, %dma_wait3A_19, %dma_wait3A_20] : memref<2x32x1024xf32, #tpu.memory_space<vmem>> -> memref<1x32x1024xf32, #tpu.memory_space<vmem>>
    %dma_wait3A_22 = tpu.memref_squeeze %dma_wait3A_21 : memref<1x32x1024xf32, #tpu.memory_space<vmem>> -> memref<32x1024xf32, #tpu.memory_space<vmem>>
    %dma_wait3A_23 = arith.constant 0 : i32
    %dma_wait3A_24 = tpu.memref_slice %arg2[%add3A_6, %dma_wait3A_23] : memref<8192x1024xf32, #tpu.memory_space<hbm>> -> memref<32x1024xf32, #tpu.memory_space<hbm>>
    %dma_wait3A_25 = arith.constant 0 : i32
    %dma_wait3A_26 = arith.constant 0 : i32
    %dma_wait3A_27 = tpu.memref_slice %arg4[%dma_wait3A, %dma_wait3A_25, %dma_wait3A_26] : memref<2x32x1024xf32, #tpu.memory_space<vmem>> -> memref<1x32x1024xf32, #tpu.memory_space<vmem>>
    %dma_wait3A_28 = tpu.memref_squeeze %dma_wait3A_27 : memref<1x32x1024xf32, #tpu.memory_space<vmem>> -> memref<32x1024xf32, #tpu.memory_space<vmem>>
    %dma_wait3A_29 = arith.constant 0 : i32
    %dma_wait3A_30 = tpu.memref_slice %arg2[%add3A_6, %dma_wait3A_29] : memref<8192x1024xf32, #tpu.memory_space<hbm>> -> memref<32x1024xf32, #tpu.memory_space<hbm>>
    tpu.wait_dma2 semaphore(%arg5 : memref<!tpu.dma_semaphore, #tpu.memory_space<semaphore_mem>>) src(%dma_wait3A_30 : memref<32x1024xf32, #tpu.memory_space<hbm>>) dst(%dma_wait3A_28 : memref<32x1024xf32, #tpu.memory_space<vmem>>)
    %add3A_31 = arith.constant 0 : i32
    %add3A_32 = arith.addi %mul3A_2, %add3A_31 : i32
    %dma_start3A_33 = arith.constant 0 : i32
    %dma_start3A_34 = arith.constant 0 : i32
    %dma_start3A_35 = arith.constant 0 : i32
    %dma_start3A_36 = tpu.memref_slice %arg4[%dma_start3A_33, %dma_start3A_34, %dma_start3A_35] : memref<2x32x1024xf32, #tpu.memory_space<vmem>> -> memref<1x32x1024xf32, #tpu.memory_space<vmem>>
    %dma_start3A_37 = tpu.memref_squeeze %dma_start3A_36 : memref<1x32x1024xf32, #tpu.memory_space<vmem>> -> memref<32x1024xf32, #tpu.memory_space<vmem>>
    %dma_start3A_38 = arith.constant 0 : i32
    %dma_start3A_39 = tpu.memref_slice %arg3[%add3A_32, %dma_start3A_38] : memref<2048x1024xf32, #tpu.memory_space<hbm>> -> memref<32x1024xf32, #tpu.memory_space<hbm>>
    %dma_start3A_40 = arith.constant 0 : i32
    %dma_start3A_41 = tpu.memref_slice %arg3[%add3A_32, %dma_start3A_40] : memref<2048x1024xf32, #tpu.memory_space<hbm>> -> memref<32x1024xf32, #tpu.memory_space<hbm>>
    %dma_start3A_42 = arith.constant 0 : i32
    %dma_start3A_43 = arith.constant 0 : i32
    %dma_start3A_44 = tpu.memref_slice %arg4[%dma_start3A_33, %dma_start3A_42, %dma_start3A_43] : memref<2x32x1024xf32, #tpu.memory_space<vmem>> -> memref<1x32x1024xf32, #tpu.memory_space<vmem>>
    %dma_start3A_45 = tpu.memref_squeeze %dma_start3A_44 : memref<1x32x1024xf32, #tpu.memory_space<vmem>> -> memref<32x1024xf32, #tpu.memory_space<vmem>>
    tpu.enqueue_dma source(%dma_start3A_45 : memref<32x1024xf32, #tpu.memory_space<vmem>>) target(%dma_start3A_41 : memref<32x1024xf32, #tpu.memory_space<hbm>>) target_semaphore(%arg7 : memref<!tpu.dma_semaphore, #tpu.memory_space<semaphore_mem>>)
    %add3A_46 = arith.constant 6144 : i32
    %add3A_47 = arith.addi %add3A_46, %mul3A_2 : i32
    %add3A_48 = arith.constant 32 : i32
    %add3A_49 = arith.addi %add3A_47, %add3A_48 : i32
    %dma_start3A_50 = arith.constant 1 : i32
    %dma_start3A_51 = arith.constant 0 : i32
    %dma_start3A_52 = arith.constant 0 : i32
    %dma_start3A_53 = tpu.memref_slice %arg4[%dma_start3A_50, %dma_start3A_51, %dma_start3A_52] : memref<2x32x1024xf32, #tpu.memory_space<vmem>> -> memref<1x32x1024xf32, #tpu.memory_space<vmem>>
    %dma_start3A_54 = tpu.memref_squeeze %dma_start3A_53 : memref<1x32x1024xf32, #tpu.memory_space<vmem>> -> memref<32x1024xf32, #tpu.memory_space<vmem>>
    %dma_start3A_55 = arith.constant 0 : i32
    %dma_start3A_56 = tpu.memref_slice %arg2[%add3A_49, %dma_start3A_55] : memref<8192x1024xf32, #tpu.memory_space<hbm>> -> memref<32x1024xf32, #tpu.memory_space<hbm>>
    %dma_start3A_57 = arith.constant 0 : i32
    %dma_start3A_58 = arith.constant 0 : i32
    %dma_start3A_59 = tpu.memref_slice %arg4[%dma_start3A_50, %dma_start3A_57, %dma_start3A_58] : memref<2x32x1024xf32, #tpu.memory_space<vmem>> -> memref<1x32x1024xf32, #tpu.memory_space<vmem>>
    %dma_start3A_60 = tpu.memref_squeeze %dma_start3A_59 : memref<1x32x1024xf32, #tpu.memory_space<vmem>> -> memref<32x1024xf32, #tpu.memory_space<vmem>>
    %dma_start3A_61 = arith.constant 0 : i32
    %dma_start3A_62 = tpu.memref_slice %arg2[%add3A_49, %dma_start3A_61] : memref<8192x1024xf32, #tpu.memory_space<hbm>> -> memref<32x1024xf32, #tpu.memory_space<hbm>>
    tpu.enqueue_dma source(%dma_start3A_62 : memref<32x1024xf32, #tpu.memory_space<hbm>>) target(%dma_start3A_60 : memref<32x1024xf32, #tpu.memory_space<vmem>>) target_semaphore(%arg6 : memref<!tpu.dma_semaphore, #tpu.memory_space<semaphore_mem>>)
    %dma_wait3A_63 = arith.constant 1 : i32
    %dma_wait3A_64 = arith.constant 0 : i32
    %dma_wait3A_65 = arith.constant 0 : i32
    %dma_wait3A_66 = tpu.memref_slice %arg4[%dma_wait3A_63, %dma_wait3A_64, %dma_wait3A_65] : memref<2x32x1024xf32, #tpu.memory_space<vmem>> -> memref<1x32x1024xf32, #tpu.memory_space<vmem>>
    %dma_wait3A_67 = tpu.memref_squeeze %dma_wait3A_66 : memref<1x32x1024xf32, #tpu.memory_space<vmem>> -> memref<32x1024xf32, #tpu.memory_space<vmem>>
    %dma_wait3A_68 = arith.constant 0 : i32
    %dma_wait3A_69 = tpu.memref_slice %arg2[%add3A_49, %dma_wait3A_68] : memref<8192x1024xf32, #tpu.memory_space<hbm>> -> memref<32x1024xf32, #tpu.memory_space<hbm>>
    %dma_wait3A_70 = arith.constant 0 : i32
    %dma_wait3A_71 = arith.constant 0 : i32
    %dma_wait3A_72 = tpu.memref_slice %arg4[%dma_wait3A_63, %dma_wait3A_70, %dma_wait3A_71] : memref<2x32x1024xf32, #tpu.memory_space<vmem>> -> memref<1x32x1024xf32, #tpu.memory_space<vmem>>
    %dma_wait3A_73 = tpu.memref_squeeze %dma_wait3A_72 : memref<1x32x1024xf32, #tpu.memory_space<vmem>> -> memref<32x1024xf32, #tpu.memory_space<vmem>>
    %dma_wait3A_74 = arith.constant 0 : i32
    %dma_wait3A_75 = tpu.memref_slice %arg2[%add3A_49, %dma_wait3A_74] : memref<8192x1024xf32, #tpu.memory_space<hbm>> -> memref<32x1024xf32, #tpu.memory_space<hbm>>
    tpu.wait_dma2 semaphore(%arg6 : memref<!tpu.dma_semaphore, #tpu.memory_space<semaphore_mem>>) src(%dma_wait3A_75 : memref<32x1024xf32, #tpu.memory_space<hbm>>) dst(%dma_wait3A_73 : memref<32x1024xf32, #tpu.memory_space<vmem>>)
    %add3A_76 = arith.constant 32 : i32
    %add3A_77 = arith.addi %mul3A_2, %add3A_76 : i32
    %dma_start3A_78 = arith.constant 1 : i32
    %dma_start3A_79 = arith.constant 0 : i32
    %dma_start3A_80 = arith.constant 0 : i32
    %dma_start3A_81 = tpu.memref_slice %arg4[%dma_start3A_78, %dma_start3A_79, %dma_start3A_80] : memref<2x32x1024xf32, #tpu.memory_space<vmem>> -> memref<1x32x1024xf32, #tpu.memory_space<vmem>>
    %dma_start3A_82 = tpu.memref_squeeze %dma_start3A_81 : memref<1x32x1024xf32, #tpu.memory_space<vmem>> -> memref<32x1024xf32, #tpu.memory_space<vmem>>
    %dma_start3A_83 = arith.constant 0 : i32
    %dma_start3A_84 = tpu.memref_slice %arg3[%add3A_77, %dma_start3A_83] : memref<2048x1024xf32, #tpu.memory_space<hbm>> -> memref<32x1024xf32, #tpu.memory_space<hbm>>
    %dma_start3A_85 = arith.constant 0 : i32
    %dma_start3A_86 = tpu.memref_slice %arg3[%add3A_77, %dma_start3A_85] : memref<2048x1024xf32, #tpu.memory_space<hbm>> -> memref<32x1024xf32, #tpu.memory_space<hbm>>
    %dma_start3A_87 = arith.constant 0 : i32
    %dma_start3A_88 = arith.constant 0 : i32
    %dma_start3A_89 = tpu.memref_slice %arg4[%dma_start3A_78, %dma_start3A_87, %dma_start3A_88] : memref<2x32x1024xf32, #tpu.memory_space<vmem>> -> memref<1x32x1024xf32, #tpu.memory_space<vmem>>
    %dma_start3A_90 = tpu.memref_squeeze %dma_start3A_89 : memref<1x32x1024xf32, #tpu.memory_space<vmem>> -> memref<32x1024xf32, #tpu.memory_space<vmem>>
    tpu.enqueue_dma source(%dma_start3A_90 : memref<32x1024xf32, #tpu.memory_space<vmem>>) target(%dma_start3A_86 : memref<32x1024xf32, #tpu.memory_space<hbm>>) target_semaphore(%arg8 : memref<!tpu.dma_semaphore, #tpu.memory_space<semaphore_mem>>)
    %dma_wait3A_91 = arith.constant 0 : i32
    %dma_wait3A_92 = arith.constant 0 : i32
    %dma_wait3A_93 = arith.constant 0 : i32
    %dma_wait3A_94 = tpu.memref_slice %arg4[%dma_wait3A_91, %dma_wait3A_92, %dma_wait3A_93] : memref<2x32x1024xf32, #tpu.memory_space<vmem>> -> memref<1x32x1024xf32, #tpu.memory_space<vmem>>
    %dma_wait3A_95 = tpu.memref_squeeze %dma_wait3A_94 : memref<1x32x1024xf32, #tpu.memory_space<vmem>> -> memref<32x1024xf32, #tpu.memory_space<vmem>>
    %dma_wait3A_96 = arith.constant 0 : i32
    %dma_wait3A_97 = tpu.memref_slice %arg3[%add3A_32, %dma_wait3A_96] : memref<2048x1024xf32, #tpu.memory_space<hbm>> -> memref<32x1024xf32, #tpu.memory_space<hbm>>
    %dma_wait3A_98 = arith.constant 0 : i32
    %dma_wait3A_99 = tpu.memref_slice %arg3[%add3A_32, %dma_wait3A_98] : memref<2048x1024xf32, #tpu.memory_space<hbm>> -> memref<32x1024xf32, #tpu.memory_space<hbm>>
    %dma_wait3A_100 = arith.constant 0 : i32
    %dma_wait3A_101 = arith.constant 0 : i32
    %dma_wait3A_102 = tpu.memref_slice %arg4[%dma_wait3A_91, %dma_wait3A_100, %dma_wait3A_101] : memref<2x32x1024xf32, #tpu.memory_space<vmem>> -> memref<1x32x1024xf32, #tpu.memory_space<vmem>>
    %dma_wait3A_103 = tpu.memref_squeeze %dma_wait3A_102 : memref<1x32x1024xf32, #tpu.memory_space<vmem>> -> memref<32x1024xf32, #tpu.memory_space<vmem>>
    tpu.wait_dma2 semaphore(%arg7 : memref<!tpu.dma_semaphore, #tpu.memory_space<semaphore_mem>>) src(%dma_wait3A_103 : memref<32x1024xf32, #tpu.memory_space<vmem>>) dst(%dma_wait3A_99 : memref<32x1024xf32, #tpu.memory_space<hbm>>)
    %dma_wait3A_104 = arith.constant 1 : i32
    %dma_wait3A_105 = arith.constant 0 : i32
    %dma_wait3A_106 = arith.constant 0 : i32
    %dma_wait3A_107 = tpu.memref_slice %arg4[%dma_wait3A_104, %dma_wait3A_105, %dma_wait3A_106] : memref<2x32x1024xf32, #tpu.memory_space<vmem>> -> memref<1x32x1024xf32, #tpu.memory_space<vmem>>
    %dma_wait3A_108 = tpu.memref_squeeze %dma_wait3A_107 : memref<1x32x1024xf32, #tpu.memory_space<vmem>> -> memref<32x1024xf32, #tpu.memory_space<vmem>>
    %dma_wait3A_109 = arith.constant 0 : i32
    %dma_wait3A_110 = tpu.memref_slice %arg3[%add3A_77, %dma_wait3A_109] : memref<2048x1024xf32, #tpu.memory_space<hbm>> -> memref<32x1024xf32, #tpu.memory_space<hbm>>
    %dma_wait3A_111 = arith.constant 0 : i32
    %dma_wait3A_112 = tpu.memref_slice %arg3[%add3A_77, %dma_wait3A_111] : memref<2048x1024xf32, #tpu.memory_space<hbm>> -> memref<32x1024xf32, #tpu.memory_space<hbm>>
    %dma_wait3A_113 = arith.constant 0 : i32
    %dma_wait3A_114 = arith.constant 0 : i32
    %dma_wait3A_115 = tpu.memref_slice %arg4[%dma_wait3A_104, %dma_wait3A_113, %dma_wait3A_114] : memref<2x32x1024xf32, #tpu.memory_space<vmem>> -> memref<1x32x1024xf32, #tpu.memory_space<vmem>>
    %dma_wait3A_116 = tpu.memref_squeeze %dma_wait3A_115 : memref<1x32x1024xf32, #tpu.memory_space<vmem>> -> memref<32x1024xf32, #tpu.memory_space<vmem>>
    tpu.wait_dma2 semaphore(%arg8 : memref<!tpu.dma_semaphore, #tpu.memory_space<semaphore_mem>>) src(%dma_wait3A_116 : memref<32x1024xf32, #tpu.memory_space<vmem>>) dst(%dma_wait3A_112 : memref<32x1024xf32, #tpu.memory_space<hbm>>)
    return
  }
}

module attributes {stable_mosaic.version = 14 : i64} {
  func.func @_tc_copy_body(%arg0: i32, %arg1: memref<2048x1024xf32, #tpu.memory_space<vmem>>, %arg2: memref<2048x1024xf32, #tpu.memory_space<vmem>>) attributes {dimension_semantics = [#tpu.dimension_semantics<arbitrary>], iteration_bounds = array<i64: 3>, scalar_prefetch = 0 : i64, scratch_operands = 0 : i64, tpu.core_type = #tpu.core_type<tc>, window_params = [{transform_indices = @transform_0, window_bounds = array<i64: 2048, 1024>}, {transform_indices = @transform_1, window_bounds = array<i64: 2048, 1024>}]} {
    %get3A = arith.constant 0 : index
    %get3A_0 = arith.constant 0 : index
    %get3A_1 = vector.load %arg1[%get3A, %get3A_0] : memref<2048x1024xf32, #tpu.memory_space<vmem>>, vector<2048x1024xf32>
    %swap3A = arith.constant 0 : index
    %swap3A_2 = arith.constant 0 : index
    %swap3A_3 = vector.load %arg2[%swap3A, %swap3A_2] : memref<2048x1024xf32, #tpu.memory_space<vmem>>, vector<2048x1024xf32>
    tpu.vector_store %arg2[%swap3A, %swap3A_2], %get3A_1 {strides = array<i32>} : memref<2048x1024xf32, #tpu.memory_space<vmem>>, vector<2048x1024xf32>,
    return
  }
  func.func @transform_0(%arg0: i32) -> (i32, i32) {
    %c0_i32 = arith.constant 0 : i32
    %c0_i32_0 = arith.constant 0 : i32
    return %arg0, %c0_i32 : i32, i32
  }
  func.func @transform_1(%arg0: i32) -> (i32, i32) {
    %c0_i32 = arith.constant 0 : i32
    %c0_i32_0 = arith.constant 0 : i32
    return %arg0, %c0_i32 : i32, i32
  }
}

</mosaic_0001>

<sc_bundles>
// kernel: kernel.4.cloned.1.call-start
scs
__scs_entry_jumppad:
0x0: {  	(pc) =	sbr.rel $0x88, $3  }
0x1: {  	(tag) =	ssettag $0x0;
	lr =	simm.s32 $0x1  }
0x2: {  	[smem:$0x3FA0] =	sst lr;
	_ =	strace $0xD0000000  }
0x3: {  	_ = 	snop  }
0x4: {  	_ = 	snop  }
0x5: {  	_ = 	snop  }
0x6: {  	_ = 	snop  }
0x7: {  	_ = 	snop  }
__scs_overlays_trampoline_lowered:
0x8: {  	[smem:$0x3FAF] =	sst s0  }
0x9: {  	[smem:$0x3FB0] =	sst s1  }
0xa: {  	[smem:$0x3FB1] =	sst s2  }
0xb: {  	[smem:$0x3FB2] =	sst s3  }
0xc: {  	[smem:$0x3FB3] =	sst s4  }
0xd: {  	[smem:$0x3FB4] =	sst s5  }
0xe: {  	[smem:$0x3FB5] =	sst s6  }
0xf: {  	[smem:$0x3FB6] =	sst s7  }
0x10: {  	[smem:$0x3FB7] =	sst s8  }
0x11: {  	[smem:$0x3FB8] =	sst s9;
	s0 =	simm.s32 @!p0 $0x0  }
0x12: {  	s1 =	sld [smem:$0x3F9E];
	s0 =	simm.s32 @p0 $0x1  }
0x13: {  	[smem:$0x3FB9] =	sst s0;
	s0 =	simm.s32 @!p1 $0x0  }
0x14: {  	s2 =	sld [smem:$0x3F9D];
	s0 =	simm.s32 @p1 $0x1  }
0x15: {  	[smem:$0x3FBA] =	sst s0;
	s0 =	simm.s32 @!p2 $0x0  }
0x16: {  	s3 =	sld [smem:$0x3FDB];
	s0 =	simm.s32 @p2 $0x1  }
0x17: {  	s4 =	simm.s32 $0x1BF5;
	[smem:$0x3FBC] =	sst s0  }
0x18: {  	s0 =	sld [smem:$0x3F9F];
	_ =	swait.ge [sflag:s4], $0x0  }
0x19: {  	s7 =	sld [smem:$0x3FA0]  }
0x1a: {  	s8 =	sadd.s32 $0xFFFFE003, lr  }
0x1b: {  	s9 =	sadd.s32 $0xFFFFFEF7, lr;
	s5 =	simm.s32 $0xFFFFFFFF;
	p2 =	slt.u32 s8, $0xFFFFF086  }
0x1c: {  	p1 =	slt.u32 s9, $0xF7A;
	s5 =	simm.s32 @!p2 $0x0  }
0x1d: {  	s5 =	simm.s32 @p1 $0x1;
	p0 =	seq.s32 s7, s2  }
0x1e: {  	s7 =	smul.u32 @!p0 $0xF7A, s2;
	p2 =	seq.s32 @!p0 s5, $0x0  }
0x1f: {  	s9 =	smul.u32 $0xF7A, s1;
	s8 =	simm.s32 @!p0 $0x1BF5;
	p2 =	por !p2, p0  }
0x20: {  	[sflag:s8] =	ssyncset.s32 @!p0 $0xFFFFF086;
	s6 =	sadd.s32 @!p0 s3, s7;
	s7 =	simm.s32 @!p0 $0x108  }
0x21: {  	s3 =	sadd.s32 s3, s9;
	s6 =	sadd.s32 @!p0 $0x88, s6;
	s7 =	simm.s32 @p2 $0x1082  }
0x22: {  	[simem:s7], [sflag:s8] =	dma.local @!p0 [hbm:s6], $0xF7A  }
0x23: {  	s9 =	sor.u32 $0xD0000000, s2;
	s6 =	simm.s32 $0x108;
	_ =	swait.ge @!p0 [sflag:s8], $0x0  }
0x24: {  	s3 =	sadd.s32 $0x88, s3;
	s6 =	simm.s32 @!p1 $0x1082;
	[sflag:s4] =	ssyncset.s32 $0xFFFFF086  }
0x25: {  	[simem:s6], [sflag:s4] =	dma.local [hbm:s3], $0xF7A  }
0x26: {  	[smem:$0x3FA0] =	sst s1;
	(tag) =	ssettag s2;
	_ =	strace s9  }
0x27: {  	s1 =	sld [smem:$0x3FB0]  }
0x28: {  	s2 =	sld [smem:$0x3FB1]  }
0x29: {  	s4 =	sld [smem:$0x3FB3]  }
0x2a: {  	p0 =	seq.s32 s5, $0x0;
	s5 =	sld [smem:$0x3FB4]  }
0x2b: {  	s6 =	sld [smem:$0x3FB5]  }
0x2c: {  	s7 =	sld [smem:$0x3FB6]  }
0x2d: {  	s3 =	simm.s32 $0x108;
	s8 =	sld [smem:$0x3FB7]  }
0x2e: {  	s3 =	simm.s32 @!p0 $0x1082;
	s9 =	sld [smem:$0x3FB8]  }
0x2f: {  	lr =	sadd.s32 s0, s3;
	s0 =	sld [smem:$0x3FAF]  }
0x30: {  	s3 =	sld [smem:$0x3FB2]  }
0x31: {  	[smem:$0x3FBB] =	sst s10  }
0x32: {  	s10 =	sld [smem:$0x3FB9];
	_ =	sdelay $0x3  }
0x33: {  	p0 =	seq.s32 s10, $0x1;
	s10 =	sld [smem:$0x3FBB];
	_ =	sdelay $0x3  }
0x34: {  	[smem:$0x3FBB] =	sst s10  }
0x35: {  	s10 =	sld [smem:$0x3FBA];
	_ =	sdelay $0x3  }
0x36: {  	p1 =	seq.s32 s10, $0x1;
	s10 =	sld [smem:$0x3FBB];
	_ =	sdelay $0x3  }
0x37: {  	[smem:$0x3FBB] =	sst s10  }
0x38: {  	s10 =	sld [smem:$0x3FBC]  }
0x39: {  	_ = 	snop;
	(pc) =	sbr.ind lr, $3  }
0x3a: {  	_ = 	snop  }
0x3b: {  	_ = 	snop  }
0x3c: {  	p2 =	seq.s32 s10, $0x1;
	s10 =	sld [smem:$0x3FBB]  }
0x3d: {  	_ =	shalt  }
0x3e: {  	_ =	shalt  }
0x3f: {  	_ =	shalt  }
0x40: {  	_ =	shalt  }
0x41: {  	_ =	shalt  }
0x42: {  	_ =	shalt  }
0x43: {  	_ =	shalt  }
0x44: {  	_ =	shalt  }
0x45: {  	_ =	shalt  }
0x46: {  	_ =	shalt  }
0x47: {  	_ =	shalt  }
0x48: {  	_ =	shalt  }
0x49: {  	_ =	shalt  }
0x4a: {  	_ =	shalt  }
0x4b: {  	_ =	shalt  }
0x4c: {  	_ =	shalt  }
0x4d: {  	_ =	shalt  }
0x4e: {  	_ =	shalt  }
0x4f: {  	_ =	shalt  }
0x50: {  	_ =	shalt  }
0x51: {  	_ =	shalt  }
0x52: {  	_ =	shalt  }
0x53: {  	_ =	shalt  }
0x54: {  	_ =	shalt  }
0x55: {  	_ =	shalt  }
0x56: {  	_ =	shalt  }
0x57: {  	_ =	shalt  }
0x58: {  	_ =	shalt  }
0x59: {  	_ =	shalt  }
0x5a: {  	_ =	shalt  }
0x5b: {  	_ =	shalt  }
0x5c: {  	_ =	shalt  }
0x5d: {  	_ =	shalt  }
0x5e: {  	_ =	shalt  }
0x5f: {  	_ =	shalt  }
0x60: {  	_ =	shalt  }
0x61: {  	_ =	shalt  }
0x62: {  	_ =	shalt  }
0x63: {  	_ =	shalt  }
0x64: {  	_ =	shalt  }
0x65: {  	_ =	shalt  }
0x66: {  	_ =	shalt  }
0x67: {  	_ =	shalt  }
0x68: {  	_ =	shalt  }
0x69: {  	_ =	shalt  }
0x6a: {  	_ =	shalt  }
0x6b: {  	_ =	shalt  }
0x6c: {  	_ =	shalt  }
0x6d: {  	_ =	shalt  }
0x6e: {  	_ =	shalt  }
0x6f: {  	_ =	shalt  }
0x70: {  	_ =	shalt  }
0x71: {  	_ =	shalt  }
0x72: {  	_ =	shalt  }
0x73: {  	_ =	shalt  }
0x74: {  	_ =	shalt  }
0x75: {  	_ =	shalt  }
0x76: {  	_ =	shalt  }
0x77: {  	_ =	shalt  }
0x78: {  	_ =	shalt  }
0x79: {  	_ =	shalt  }
0x7a: {  	_ =	shalt  }
0x7b: {  	_ =	shalt  }
0x7c: {  	_ =	shalt  }
0x7d: {  	_ =	shalt  }
0x7e: {  	_ =	shalt  }
0x7f: {  	_ =	shalt  }
0x80: {  	_ =	shalt  }
0x81: {  	_ =	shalt  }
0x82: {  	_ =	shalt  }
0x83: {  	_ =	shalt  }
0x84: {  	_ =	shalt  }
0x85: {  	_ =	shalt  }
0x86: {  	_ =	shalt  }
0x87: {  	_ =	shalt  }
.Lfunc_end0:
.L_simem_size_0:
called_computation_lowered:
.L_overlay_start_0:
0x88: {  	s2 =	sld [smem:$0x3FD9]  }
0x89: {  	s3 =	sld [smem:$0x3FFE];
	_ =	sdelay $0x1  }
0x8a: {  	s1 =	srdreg.scid  }
0x8b: {  	s0 =	sand.u32 $0x1, s1  }
0x8c: {  	s17 =	sshll.u32 s0, $0xA;
	s2 =	sadd.s32 s3, s2  }
0x8d: {  	s2 =	sadd.s32 s2, s17  }
0x8e: {  	[smem:$0x3FC7] =	sst s2  }
0x8f: {  	_ = 	snop  }
0x90: {  	s2 =	sld [smem:$0x3FC9];
	(tm) =	ssettm $0x1  }
0x91: {  	s18 =	sld [smem:$0x3FFB];
	_ =	sdelay $0x3  }
0x92: {  	_ =	strace s18  }
0x93: {  	s3 =	sld [smem:$0x3FFC];
	_ =	sdelay $0x3  }
0x94: {  	_ =	strace s3  }
0x95: {  	s3 =	sld [smem:$0x3FFD];
	_ =	sdelay $0x3  }
0x96: {  	_ =	strace s3  }
0x97: {  	_ =	strace $0x8FFFFFFF  }
0x98: {  	s19 =	sld [smem:$0x3FDB];
	_ =	sdelay $0x1  }
0x99: {  	s4 =	simm.s32 $_scs_section_size  }
0x9a: {  	s5 =	simm.s32 $_size__tile_overlayer_lowered;
	s6 =	simm.s32 $_tile_overlayer_lowered  }
0x9b: {  	s22 =	simm.s32 $0x1BFF;
	s21 =	sshll.u32 s6, $0x1;
	s3 =	sadd.s32 s4, s19  }
0x9c: {  	s7 =	simm.s32 $0x0;
	s20 =	sshll.u32 s5, $0x1;
	s5 =	sadd.s32 s21, s3  }
0x9d: {  	[timem:s7], [sflag:s22] =	dma.local [hbm:s5], s20  }
0x9e: {  	_ =	swait.ge [sflag:s22], s20  }
0x9f: {  	s4 =	ssub.s32 $0x0, s20;
	[sflag:s22] =	ssyncset.done $0x0  }
0xa0: {  	[sflag:s22] =	ssyncadd.s32 s4;
	_ =	sdelay $0x1  }
0xa1: {  	s23 =	simm.s32 $0x1B8B  }
0xa2: {  	_ =	swait.ge [sflag:s23], $0x1  }
0xa3: {  	[sflag:s23] =	ssyncset.done $0x0  }
0xa4: {  	s25 =	simm.s32 $0x1B8E;
	s24 =	sld [smem:$0x3FFE];
	[sflag:s23] =	ssyncadd.s32 $0xFFFFFFFF  }
0xa5: {  	s26 =	simm.s32 $execute0_lowered;
	[smem:$0x3FD2] =	sst s25  }
0xa6: {  	s5 =	sshll.u32 s26, $0x1;
	_ =	strace $0x80000046;
	[dreg:$0x1] =	wrdreg $0xFFFFFFFF  }
0xa7: {  	s28 =	simm.s32 $_size_execute0_lowered;
	s3 =	sadd.s32 s3, s5;
	[dreg:$0x0] =	wrdreg $0x0  }
0xa8: {  	s5 =	sshll.u32 s28, $0x1;
	[dreg:$0x2] =	wrdreg s3  }
0xa9: {  	[dreg:$0x3] =	wrdreg s5  }
0xaa: {  	[dreg:$0x4] =	wrdreg $0xC0  }
0xab: {  	_ =	task [dreg:s7], $0x5FFFF  }
0xac: {  	[dreg:$0x1] =	wrdreg $0xFFFFFFFF  }
0xad: {  	[dreg:$0x0] =	wrdreg $0x60  }
0xae: {  	[dreg:$0x2] =	wrdreg s2  }
0xaf: {  	[dreg:$0x3] =	wrdreg s24  }
0xb0: {  	[dreg:$0x4] =	wrdreg $0x9  }
0xb1: {  	_ =	task.clear_ibuf [dreg:s7], $0x5FFFF;
	_ =	strace $0x90000046  }
0xb2: {  	s29 =	simm.s32 $0x9;
	_ =	strace $0x80000048  }
0xb3: {  	_ =	swait.ge [sflag:s29], $0x1  }
0xb4: {  	[sflag:s29] =	ssyncadd.s32 $0xFFFFFFFF  }
0xb5: {  	_ =	strace $0x90000048  }
0xb6: {  	_ =	sfence  }
0xb7: {  	s30 =	sld [smem:$0x0];
	_ =	sdelay $0x2  }
0xb8: {  	s31 =	sshll.u32 s1, $0xD;
	s1 =	sshrl.u32 s1, $0x2  }
0xb9: {  	s3 =	sand.u32 $0x4000, s31;
	s1 =	sadd.s32 s1, s30  }
0xba: {  	s0 =	sor.u32 s3, s0;
	s1 =	sshll.u32 s1, $0x11  }
0xbb: {  	s0 =	sor.u32 s1, s0  }
0xbc: {  	s0 =	sadd.s32 $0x8F2B, s0  }
0xbd: {  	[sflag:s0] =	ssyncadd.remote.s32 $0x1  }
0xbe: {  	_ =	sfence.sel $0xFFFF  }
0xbf: {  	[dreg:$0x0] =	wrdreg $0xFFFFFFFF;
	(pc) =	sbr.abs _section_cstart, $3  }
0xc0: {  	[dreg:$0x1] =	wrdreg $0xFFFFFFFF  }
0xc1: {  	_ =	task.clear_ibuf [dreg:s7], $0x2FFFF;
	_ =	strace $0x9FFFFFFF  }
0xc2: {  	(tm) =	ssettm $0x7FFFFFFF  }
0xc3: {  	_ =	shalt  }
tec
execute0_lowered:
.L_overlay_start_1:
0x0: {  	(tag) =	ssettag $0x1  }
0x1: {  	s1 =	srdreg.scid  }
0x2: {  	s3 =	rddreg [dreg:$0x0];
	s0 =	stileid.u32;
	s9 =	sand.u32 $0x1, s1  }
0x3: {  	s5 =	rddreg [dreg:$0x1];
	s4 =	sshll.u32 s0, $0xE;
	s6 =	sshll.u32 s9, $0xD  }
0x4: {  	s2 =	simm.s32 $0x0;
	s1 =	rddreg [dreg:$0x2];
	s6 =	sor.u32 s6, s4  }
0x5: {  	[smem:$0x7FF] =	sst s2;
	s7 =	sadd.s32 s6, s3  }
0x6: {  	_ =	strace $0x80000047;
	s4 =	simm.s32 $0x1;
	s3 =	sadd.s32 $0xC0000, s7  }
0x7: {  	[tilespmem:s2], [sflag:$0x1] =	stream.linear.gather [hbm4b:s3+s2], $0x8000, $0x38;
	[tilespmem:$0x10000] =	vst v63  }
0x8: {  	_ =	swait.ge [sflag:s4], $0x8000  }
0x9: {  	s8 =	simm.s32 $0x2;
	s10 =	sadd.s32 s6, s5;
	[sflag:s4] =	ssyncset.done $0x0  }
0xa: {  	s11 =	ssub.s32 $0x2, s9;
	s5 =	sadd.s32 $0x400, s10;
	[sflag:s4] =	ssyncadd.s32 $0xFFFF8000  }
0xb: {  	[hbm4b:s5+s2] =	stream.linear.scatter [tilespmem:s2], [sflag:$0x3], $0x8000, $0x38;
	[tilespmem:$0x10000] =	vst v63  }
0xc: {  	s12 =	sshrl.u32 s11, $0x1;
	s6 =	sadd.s32 $0xC1000, s7;
	s7 =	simm.s32 $0x8000  }
0xd: {  	[tilespmem:s7], [sflag:$0x2] =	stream.linear.gather [hbm4b:s6+s2], $0x8000, $0x38;
	[tilespmem:$0x10000] =	vst v63  }
0xe: {  	s11 =	ssub.s32 s11, s12;
	_ =	swait.ge [sflag:s8], $0x8000  }
0xf: {  	s9 =	sadd.s32 $0x1400, s10;
	s12 =	smax.u32 s11, $0x1;
	[sflag:s8] =	ssyncset.done $0x0  }
0x10: {  	s10 =	simm.s32 $0x3;
	p0 =	sne.s32 s12, $0x1;
	[sflag:s8] =	ssyncadd.s32 $0xFFFF8000  }
0x11: {  	[hbm4b:s9+s2] =	stream.linear.scatter [tilespmem:s7], [sflag:$0x4], $0x8000, $0x38;
	[tilespmem:$0x10000] =	vst v63  }
.Ltmp0:
0x12: {  	_ =	swait.ge [sflag:s10], $0x8000;
	(pc) =	sbr.rel @!p0 .LBB2_2-.Ltmp0, $4  }
0x13: {  	[sflag:s10] =	ssyncset.done $0x0  }
0x14: {  	s11 =	simm.s32 $0x4;
	[sflag:s10] =	ssyncadd.s32 $0xFFFF8000  }
0x15: {  	_ =	swait.ge [sflag:s11], $0x8000  }
0x16: {  	s12 =	sadd.s32 $0xFFFFFFFF, s12;
	[sflag:s11] =	ssyncset.done $0x0  }
.LBB2_1:
0x17: {  	p0 =	sne.s32 s12, $0x1;
	s12 =	sadd.s32 $0xFFFFFFFF, s12;
	[sflag:s11] =	ssyncadd.s32 $0xFFFF8000  }
0x18: {  	[tilespmem:s2], [sflag:$0x1] =	stream.linear.gather [hbm4b:s3+s2], $0x8000, $0x38;
	[tilespmem:$0x10000] =	vst v63  }
0x19: {  	_ =	swait.ge [sflag:s4], $0x8000  }
0x1a: {  	[sflag:s4] =	ssyncset.done $0x0  }
0x1b: {  	[sflag:s4] =	ssyncadd.s32 $0xFFFF8000  }
0x1c: {  	[hbm4b:s5+s2] =	stream.linear.scatter [tilespmem:s2], [sflag:$0x3], $0x8000, $0x38;
	[tilespmem:$0x10000] =	vst v63  }
0x1d: {  	_ = 	snop  }
0x1e: {  	[tilespmem:s7], [sflag:$0x2] =	stream.linear.gather [hbm4b:s6+s2], $0x8000, $0x38;
	[tilespmem:$0x10000] =	vst v63  }
0x1f: {  	_ =	swait.ge [sflag:s8], $0x8000  }
0x20: {  	[sflag:s8] =	ssyncset.done $0x0  }
0x21: {  	[sflag:s8] =	ssyncadd.s32 $0xFFFF8000  }
0x22: {  	[hbm4b:s9+s2] =	stream.linear.scatter [tilespmem:s7], [sflag:$0x4], $0x8000, $0x38;
	[tilespmem:$0x10000] =	vst v63  }
.Ltmp1:
0x23: {  	_ =	swait.ge [sflag:s10], $0x8000;
	(pc) =	sbr.rel @p0 .LBB2_1-.Ltmp1, $4  }
0x24: {  	[sflag:s10] =	ssyncset.done $0x0  }
0x25: {  	[sflag:s10] =	ssyncadd.s32 $0xFFFF8000  }
0x26: {  	_ =	swait.ge [sflag:s11], $0x8000  }
0x27: {  	[sflag:s11] =	ssyncset.done $0x0  }
.LBB2_2:
0x28: {  	[sflag:s11] =	ssyncadd.s32 $0xFFFF8000  }
0x29: {  	_ =	sfence.sel $0x180000  }
0x2a: {  	[bflag:$0x0] =	sbarrier.arrive $0xFFFF  }
0x2b: {  	p0 =	sne.s32 s0, $0x0;
	_ =	strace $0x90000047  }
0x2c: {  	s0 =	sadd.s32 @!p0 $0x100000, s1;
	[bflag:$0x2] =	sbarrier.arrive $0xFFFF  }
0x2d: {  	[sflag:s0] =	ssyncadd.tile.s32 @!p0 $0x1;
	_ =	shalt  }
.Lfunc_end2:
_tile_overlayer_lowered:
.L_overlay_start_2:
0x2e: {  	(tag) =	ssettag $0x2  }
0x2f: {  	s0 =	rddreg [dreg:$0x0];
	s2 =	stileid.u32  }
0x30: {  	s1 =	rddreg [dreg:$0x1];
	p0 =	sne.s32 s2, $0x0  }
0x31: {  	s3 =	rddreg [dreg:$0x2];
	[bflag:$0x3] =	sbarrier.arrive $0xFFFF;
	s2 =	simm.s32 @!p0 $0x1C05  }
0x32: {  	[timem:s3], [sflag:s2] =	dma.local @!p0 [hbm:s0], s1  }
0x33: {  	s0 =	simm.s32 @!p0 $0x5  }
0x34: {  	_ =	swait.ge @!p0 [sflag:s0], s1  }
0x35: {  	s1 =	ssub.s32 @!p0 $0x0, s1;
	[sflag:s0] =	ssyncset.done @!p0 $0x0  }
0x36: {  	[sflag:s0] =	ssyncadd.s32 @!p0 s1  }
0x37: {  	[bflag:$0x3] =	sbarrier.arrive $0xFFFF  }
0x38: {  	_ =	shalt  }

</sc_bundles>
